<compile_context>
chip_gen: v7x
topology: tpu7x:2x2x1
jax: 0.10.2.dev20260603
libtpu: 0.0.44.dev20260713+nightly
codegen_flags: <defaults>
</compile_context>

<pallas_src>
import jax
import jax.numpy as jnp
from jax import lax
from jax.experimental import pallas as pl
from jax.experimental.pallas import tpu as pltpu
from jax.experimental.pallas import tpu_sc as plsc

PAD = 1
NC, NS = 2, 16
NW = NC * NS
CH = 64


def _cumsum_lanes(x, n):
    r = x.shape[0]
    k = 1
    while k < n:
        shifted = jnp.concatenate(
            [jnp.zeros((r, k), x.dtype), x[:, : n - k]], axis=1)
        x = x + shifted
        k *= 2
    return x


def _pos_body(ids_ref, pos_ref):
    m = (ids_ref[...] != PAD).astype(jnp.int32)
    cum = _cumsum_lanes(m, ids_ref.shape[1])
    pos_ref[...] = cum * m + PAD


def _make_sc_gather(n_rows, d):
    b_per_w = n_rows // NW
    n_ch = b_per_w // CH
    mesh = plsc.VectorSubcoreMesh(core_axis_name="c", subcore_axis_name="s")

    def body(w_hbm, idx_hbm, out_hbm, idx_v, rows_v, sem):
        wid = lax.axis_index("s") * NC + lax.axis_index("c")
        pltpu.sync_copy(idx_hbm.at[pl.ds(wid * n_ch, n_ch), :], idx_v)

        @pl.loop(0, n_ch)
        def _(c):
            pltpu.async_copy(w_hbm.at[idx_v.at[c]], rows_v, sem).wait()
            pltpu.sync_copy(
                rows_v, out_hbm.at[pl.ds(wid * b_per_w + c * CH, CH), :])

    return pl.kernel(
        body,
        out_type=jax.ShapeDtypeStruct((n_rows, d), jnp.float32),
        mesh=mesh,
        scratch_types=[
            pltpu.VMEM((n_ch, CH), jnp.int32),
            pltpu.VMEM((CH, d), jnp.float32),
            pltpu.SemaphoreType.DMA,
        ],
    )


@jax.jit
def kernel(input, weights):
    bsz, seq = input.shape
    nrows, d = weights.shape
    n = bsz * seq

    positions = pl.pallas_call(
        _pos_body,
        out_shape=jax.ShapeDtypeStruct((bsz, seq), jnp.int32),
    )(input)

    idx2 = positions.reshape(n // CH, CH)
    out = _make_sc_gather(n, d)(weights, idx2)
    return out.reshape(bsz, seq, d)

# --- scband reference (transcript-rebuilt; emitter-appended) ---
"""Pipeline reference for scband-sinusoidal-positional-embedding-25460566131001 (READ-ONLY COPY).

The authoritative reference and input builder live on the scoring server;
editing this copy changes nothing except your own understanding.
"""

import math
import jax, jax.numpy as jnp
import numpy as np

EMBEDDING_DIM = 1024
PADDING_IDX = 1
BSZ = 4
SEQ_LEN = 8192


def get_embedding(num_embeddings, embedding_dim, padding_idx):
    half_dim = embedding_dim // 2
    emb = math.log(10000) / (half_dim - 1)
    emb = jnp.exp(jnp.arange(half_dim, dtype=jnp.float32) * -emb)
    emb = jnp.arange(num_embeddings, dtype=jnp.float32)[:, None] * emb[None, :]
    emb = jnp.concatenate([jnp.sin(emb), jnp.cos(emb)], axis=1).reshape(num_embeddings, -1)
    if embedding_dim % 2 == 1:
        emb = jnp.concatenate([emb, jnp.zeros((num_embeddings, 1), dtype=jnp.float32)], axis=1)
    if padding_idx is not None:
        emb = emb.at[padding_idx, :].set(0.0)
    return emb


def make_positions(x, padding_idx):
    # positions are padding_idx+1, padding_idx+2, ... for non-pad tokens; padding_idx for pad tokens
    mask = (x != padding_idx).astype(jnp.int32)
    return jnp.cumsum(mask, axis=1) * mask + padding_idx


def setup_inputs(seed: int = 0) -> dict:
    key = jax.random.key(seed)
    input_ids = jax.random.randint(key, (BSZ, SEQ_LEN), 0, 50000, dtype=jnp.int32)
    max_pos = PADDING_IDX + 1 + SEQ_LEN
    weights = get_embedding(max_pos, EMBEDDING_DIM, PADDING_IDX)
    return {"input": input_ids, "weights": weights}


def reference(input, weights):
    bsz, seq_len = input.shape
    positions = make_positions(input, PADDING_IDX)
    flat = jnp.take(weights, positions.reshape(-1), axis=0)
    return flat.reshape(bsz, seq_len, -1)

if __name__ == "__main__":
    import jax
    _d = setup_inputs()
    print(jax.jit(kernel)(*tuple(_d.values())))

</pallas_src>

<mosaic_0001>
#map = affine_map<(d0, d1) -> (0, 0)>
module attributes {stable_mosaic.version = 14 : i64} {
  func.func @body(%arg0: i32, %arg1: i32, %arg2: memref<8194x1024xf32, #tpu.memory_space<hbm>>, %arg3: memref<512x64xi32, #tpu.memory_space<hbm>>, %arg4: memref<32768x1024xf32, #tpu.memory_space<hbm>>, %arg5: memref<16x64xi32, #tpu.memory_space<vmem>>, %arg6: memref<64x1024xf32, #tpu.memory_space<vmem>>, %arg7: memref<!tpu.dma_semaphore, #tpu.memory_space<semaphore_mem>>) attributes {dimension_semantics = [#tpu.dimension_semantics<core_parallel>, #tpu.dimension_semantics<subcore_parallel>], iteration_bounds = array<i64: 2, 16>, scalar_prefetch = 0 : i64, scratch_operands = 3 : i64, tpu.core_type = #tpu.core_type<sc_vector_subcore>, window_params = [{transform_indices = #map}, {transform_indices = #map}, {transform_indices = #map}]} {
    %mul3A = arith.constant 2 : i32
    %mul3A_0 = arith.muli %arg1, %mul3A : i32
    %add3A = arith.addi %mul3A_0, %arg0 : i32
    %mul3A_1 = arith.constant 16 : i32
    %mul3A_2 = arith.muli %add3A, %mul3A_1 : i32
    "tpu.region"() ({
      %run_scoped3A = tpu.sem_alloc : memref<!tpu.dma_semaphore, #tpu.memory_space<semaphore_mem>>
      %dma_start3A = arith.constant 0 : i32
      %dma_start3A_7 = tpu.memref_slice %arg3[%mul3A_2, %dma_start3A] : memref<512x64xi32, #tpu.memory_space<hbm>> -> memref<16x64xi32, #tpu.memory_space<hbm>>
      %dma_start3A_8 = arith.constant 0 : i32
      %dma_start3A_9 = tpu.memref_slice %arg3[%mul3A_2, %dma_start3A_8] : memref<512x64xi32, #tpu.memory_space<hbm>> -> memref<16x64xi32, #tpu.memory_space<hbm>>
      tpu.enqueue_dma source(%dma_start3A_9 : memref<16x64xi32, #tpu.memory_space<hbm>>) target(%arg5 : memref<16x64xi32, #tpu.memory_space<vmem>>) target_semaphore(%run_scoped3A : memref<!tpu.dma_semaphore, #tpu.memory_space<semaphore_mem>>)
      %dma_wait3A = arith.constant 0 : i32
      %dma_wait3A_10 = tpu.memref_slice %arg3[%mul3A_2, %dma_wait3A] : memref<512x64xi32, #tpu.memory_space<hbm>> -> memref<16x64xi32, #tpu.memory_space<hbm>>
      %dma_wait3A_11 = arith.constant 0 : i32
      %dma_wait3A_12 = tpu.memref_slice %arg3[%mul3A_2, %dma_wait3A_11] : memref<512x64xi32, #tpu.memory_space<hbm>> -> memref<16x64xi32, #tpu.memory_space<hbm>>
      tpu.wait_dma2 semaphore(%run_scoped3A : memref<!tpu.dma_semaphore, #tpu.memory_space<semaphore_mem>>) src(%dma_wait3A_12 : memref<16x64xi32, #tpu.memory_space<hbm>>) dst(%arg5 : memref<16x64xi32, #tpu.memory_space<vmem>>)
      tpu.yield
    }) : () -> ()
    %scan3A = arith.constant 0 : i32
    %scan3A_3 = arith.constant 16 : i32
    %scan3A_4 = arith.addi %scan3A, %scan3A_3 : i32
    %scan3A_5 = arith.constant 1 : i32
    scf.for %scan3A_7 = %scan3A to %scan3A_4 step %scan3A_5  : i32 {
      %mul3A_8 = arith.constant 1 : i32
      %mul3A_9 = arith.muli %scan3A_7, %mul3A_8 : i32
      %add3A_10 = arith.constant 0 : i32
      %add3A_11 = arith.addi %add3A_10, %mul3A_9 : i32
      %dma_start3A = arith.constant 0 : i32
      %dma_start3A_12 = tpu.memref_slice %arg5[%add3A_11, %dma_start3A] : memref<16x64xi32, #tpu.memory_space<vmem>> -> memref<1x64xi32, #tpu.memory_space<vmem>>
      %dma_start3A_13 = tpu.memref_squeeze %dma_start3A_12 : memref<1x64xi32, #tpu.memory_space<vmem>> -> memref<64xi32, #tpu.memory_space<vmem>>
      %dma_start3A_14 = arith.constant 0 : i32
      %dma_start3A_15 = arith.constant 0 : i32
      %dma_start3A_16 = tpu.memref_slice %arg2[%dma_start3A_14, %dma_start3A_15] : memref<8194x1024xf32, #tpu.memory_space<hbm>> -> memref<8194x1024xf32, #tpu.memory_space<hbm>>
      tpu.enqueue_indirect_dma source(%dma_start3A_16 : memref<8194x1024xf32, #tpu.memory_space<hbm>>) target(%arg6 : memref<64x1024xf32, #tpu.memory_space<vmem>>) offsets(%dma_start3A_13 : memref<64xi32, #tpu.memory_space<vmem>>) semaphore(%arg7 : memref<!tpu.dma_semaphore, #tpu.memory_space<semaphore_mem>>)
      %dma_wait3A = arith.constant 0 : i32
      %dma_wait3A_17 = tpu.memref_slice %arg5[%add3A_11, %dma_wait3A] : memref<16x64xi32, #tpu.memory_space<vmem>> -> memref<1x64xi32, #tpu.memory_space<vmem>>
      %dma_wait3A_18 = tpu.memref_squeeze %dma_wait3A_17 : memref<1x64xi32, #tpu.memory_space<vmem>> -> memref<64xi32, #tpu.memory_space<vmem>>
      %dma_wait3A_19 = arith.constant 0 : i32
      %dma_wait3A_20 = arith.constant 0 : i32
      %dma_wait3A_21 = tpu.memref_slice %arg2[%dma_wait3A_19, %dma_wait3A_20] : memref<8194x1024xf32, #tpu.memory_space<hbm>> -> memref<8194x1024xf32, #tpu.memory_space<hbm>>
      tpu.wait_indirect_dma semaphore(%arg7 : memref<!tpu.dma_semaphore, #tpu.memory_space<semaphore_mem>>) src(%dma_wait3A_21 : memref<8194x1024xf32, #tpu.memory_space<hbm>>) dst(%arg6 : memref<64x1024xf32, #tpu.memory_space<vmem>>)
      %mul3A_22 = arith.constant 1024 : i32
      %mul3A_23 = arith.muli %add3A, %mul3A_22 : i32
      %mul3A_24 = arith.constant 64 : i32
      %mul3A_25 = arith.muli %add3A_11, %mul3A_24 : i32
      %add3A_26 = arith.addi %mul3A_23, %mul3A_25 : i32
      "tpu.region"() ({
        %run_scoped3A = tpu.sem_alloc : memref<!tpu.dma_semaphore, #tpu.memory_space<semaphore_mem>>
        %dma_start3A_27 = arith.constant 0 : i32
        %dma_start3A_28 = tpu.memref_slice %arg4[%add3A_26, %dma_start3A_27] : memref<32768x1024xf32, #tpu.memory_space<hbm>> -> memref<64x1024xf32, #tpu.memory_space<hbm>>
        %dma_start3A_29 = arith.constant 0 : i32
        %dma_start3A_30 = tpu.memref_slice %arg4[%add3A_26, %dma_start3A_29] : memref<32768x1024xf32, #tpu.memory_space<hbm>> -> memref<64x1024xf32, #tpu.memory_space<hbm>>
        tpu.enqueue_dma source(%arg6 : memref<64x1024xf32, #tpu.memory_space<vmem>>) target(%dma_start3A_30 : memref<64x1024xf32, #tpu.memory_space<hbm>>) target_semaphore(%run_scoped3A : memref<!tpu.dma_semaphore, #tpu.memory_space<semaphore_mem>>)
        %dma_wait3A_31 = arith.constant 0 : i32
        %dma_wait3A_32 = tpu.memref_slice %arg4[%add3A_26, %dma_wait3A_31] : memref<32768x1024xf32, #tpu.memory_space<hbm>> -> memref<64x1024xf32, #tpu.memory_space<hbm>>
        %dma_wait3A_33 = arith.constant 0 : i32
        %dma_wait3A_34 = tpu.memref_slice %arg4[%add3A_26, %dma_wait3A_33] : memref<32768x1024xf32, #tpu.memory_space<hbm>> -> memref<64x1024xf32, #tpu.memory_space<hbm>>
        tpu.wait_dma2 semaphore(%run_scoped3A : memref<!tpu.dma_semaphore, #tpu.memory_space<semaphore_mem>>) src(%arg6 : memref<64x1024xf32, #tpu.memory_space<vmem>>) dst(%dma_wait3A_34 : memref<64x1024xf32, #tpu.memory_space<hbm>>)
        tpu.yield
      }) : () -> ()
    }
    %scan3A_6 = arith.constant 16 : i32
    return
  }
}

module attributes {stable_mosaic.version = 14 : i64} {
  func.func @_pos_body(%arg0: memref<4x8192xi32, #tpu.memory_space<vmem>>, %arg1: memref<4x8192xi32, #tpu.memory_space<vmem>>) attributes {dimension_semantics = [], scalar_prefetch = 0 : i64, scratch_operands = 0 : i64, tpu.core_type = #tpu.core_type<tc>} {
    %get3A = arith.constant 0 : index
    %get3A_0 = arith.constant 0 : index
    %get3A_1 = vector.load %arg0[%get3A, %get3A_0] : memref<4x8192xi32, #tpu.memory_space<vmem>>, vector<4x8192xi32>
    %ne3A = arith.constant 1 : i32
    %ne3A_2 = vector.broadcast %ne3A : i32 to vector<4x8192xi32>
    %ne3A_3 = arith.cmpi ne, %get3A_1, %ne3A_2 : vector<4x8192xi32>
    %convert_element_type3A = arith.extui %ne3A_3 : vector<4x8192xi1> to vector<4x8192xi32>
    %broadcast_in_dim3A = arith.constant 0 : i32
    %broadcast_in_dim3A_4 = vector.broadcast %broadcast_in_dim3A : i32 to vector<4x1xi32>
    %slice3A = vector.extract_strided_slice %convert_element_type3A {offsets = [0, 0], sizes = [4, 8191], strides = [1, 1]} : vector<4x8192xi32> to vector<4x8191xi32>
    %concatenate3A = tpu.concatenate %broadcast_in_dim3A_4, %slice3A in 1 : vector<4x1xi32>, vector<4x8191xi32> -> vector<4x8192xi32>
    %add3A = arith.addi %convert_element_type3A, %concatenate3A : vector<4x8192xi32>
    %broadcast_in_dim3A_5 = arith.constant 0 : i32
    %broadcast_in_dim3A_6 = vector.broadcast %broadcast_in_dim3A_5 : i32 to vector<4x2xi32>
    %slice3A_7 = vector.extract_strided_slice %add3A {offsets = [0, 0], sizes = [4, 8190], strides = [1, 1]} : vector<4x8192xi32> to vector<4x8190xi32>
    %concatenate3A_8 = tpu.concatenate %broadcast_in_dim3A_6, %slice3A_7 in 1 : vector<4x2xi32>, vector<4x8190xi32> -> vector<4x8192xi32>
    %add3A_9 = arith.addi %add3A, %concatenate3A_8 : vector<4x8192xi32>
    %broadcast_in_dim3A_10 = arith.constant 0 : i32
    %broadcast_in_dim3A_11 = vector.broadcast %broadcast_in_dim3A_10 : i32 to vector<4x4xi32>
    %slice3A_12 = vector.extract_strided_slice %add3A_9 {offsets = [0, 0], sizes = [4, 8188], strides = [1, 1]} : vector<4x8192xi32> to vector<4x8188xi32>
    %concatenate3A_13 = tpu.concatenate %broadcast_in_dim3A_11, %slice3A_12 in 1 : vector<4x4xi32>, vector<4x8188xi32> -> vector<4x8192xi32>
    %add3A_14 = arith.addi %add3A_9, %concatenate3A_13 : vector<4x8192xi32>
    %broadcast_in_dim3A_15 = arith.constant 0 : i32
    %broadcast_in_dim3A_16 = vector.broadcast %broadcast_in_dim3A_15 : i32 to vector<4x8xi32>
    %slice3A_17 = vector.extract_strided_slice %add3A_14 {offsets = [0, 0], sizes = [4, 8184], strides = [1, 1]} : vector<4x8192xi32> to vector<4x8184xi32>
    %concatenate3A_18 = tpu.concatenate %broadcast_in_dim3A_16, %slice3A_17 in 1 : vector<4x8xi32>, vector<4x8184xi32> -> vector<4x8192xi32>
    %add3A_19 = arith.addi %add3A_14, %concatenate3A_18 : vector<4x8192xi32>
    %broadcast_in_dim3A_20 = arith.constant 0 : i32
    %broadcast_in_dim3A_21 = vector.broadcast %broadcast_in_dim3A_20 : i32 to vector<4x16xi32>
    %slice3A_22 = vector.extract_strided_slice %add3A_19 {offsets = [0, 0], sizes = [4, 8176], strides = [1, 1]} : vector<4x8192xi32> to vector<4x8176xi32>
    %concatenate3A_23 = tpu.concatenate %broadcast_in_dim3A_21, %slice3A_22 in 1 : vector<4x16xi32>, vector<4x8176xi32> -> vector<4x8192xi32>
    %add3A_24 = arith.addi %add3A_19, %concatenate3A_23 : vector<4x8192xi32>
    %broadcast_in_dim3A_25 = arith.constant 0 : i32
    %broadcast_in_dim3A_26 = vector.broadcast %broadcast_in_dim3A_25 : i32 to vector<4x32xi32>
    %slice3A_27 = vector.extract_strided_slice %add3A_24 {offsets = [0, 0], sizes = [4, 8160], strides = [1, 1]} : vector<4x8192xi32> to vector<4x8160xi32>
    %concatenate3A_28 = tpu.concatenate %broadcast_in_dim3A_26, %slice3A_27 in 1 : vector<4x32xi32>, vector<4x8160xi32> -> vector<4x8192xi32>
    %add3A_29 = arith.addi %add3A_24, %concatenate3A_28 : vector<4x8192xi32>
    %broadcast_in_dim3A_30 = arith.constant 0 : i32
    %broadcast_in_dim3A_31 = vector.broadcast %broadcast_in_dim3A_30 : i32 to vector<4x64xi32>
    %slice3A_32 = vector.extract_strided_slice %add3A_29 {offsets = [0, 0], sizes = [4, 8128], strides = [1, 1]} : vector<4x8192xi32> to vector<4x8128xi32>
    %concatenate3A_33 = tpu.concatenate %broadcast_in_dim3A_31, %slice3A_32 in 1 : vector<4x64xi32>, vector<4x8128xi32> -> vector<4x8192xi32>
    %add3A_34 = arith.addi %add3A_29, %concatenate3A_33 : vector<4x8192xi32>
    %broadcast_in_dim3A_35 = arith.constant 0 : i32
    %broadcast_in_dim3A_36 = vector.broadcast %broadcast_in_dim3A_35 : i32 to vector<4x128xi32>
    %slice3A_37 = vector.extract_strided_slice %add3A_34 {offsets = [0, 0], sizes = [4, 8064], strides = [1, 1]} : vector<4x8192xi32> to vector<4x8064xi32>
    %concatenate3A_38 = tpu.concatenate %broadcast_in_dim3A_36, %slice3A_37 in 1 : vector<4x128xi32>, vector<4x8064xi32> -> vector<4x8192xi32>
    %add3A_39 = arith.addi %add3A_34, %concatenate3A_38 : vector<4x8192xi32>
    %broadcast_in_dim3A_40 = arith.constant 0 : i32
    %broadcast_in_dim3A_41 = vector.broadcast %broadcast_in_dim3A_40 : i32 to vector<4x256xi32>
    %slice3A_42 = vector.extract_strided_slice %add3A_39 {offsets = [0, 0], sizes = [4, 7936], strides = [1, 1]} : vector<4x8192xi32> to vector<4x7936xi32>
    %concatenate3A_43 = tpu.concatenate %broadcast_in_dim3A_41, %slice3A_42 in 1 : vector<4x256xi32>, vector<4x7936xi32> -> vector<4x8192xi32>
    %add3A_44 = arith.addi %add3A_39, %concatenate3A_43 : vector<4x8192xi32>
    %broadcast_in_dim3A_45 = arith.constant 0 : i32
    %broadcast_in_dim3A_46 = vector.broadcast %broadcast_in_dim3A_45 : i32 to vector<4x512xi32>
    %slice3A_47 = vector.extract_strided_slice %add3A_44 {offsets = [0, 0], sizes = [4, 7680], strides = [1, 1]} : vector<4x8192xi32> to vector<4x7680xi32>
    %concatenate3A_48 = tpu.concatenate %broadcast_in_dim3A_46, %slice3A_47 in 1 : vector<4x512xi32>, vector<4x7680xi32> -> vector<4x8192xi32>
    %add3A_49 = arith.addi %add3A_44, %concatenate3A_48 : vector<4x8192xi32>
    %broadcast_in_dim3A_50 = arith.constant 0 : i32
    %broadcast_in_dim3A_51 = vector.broadcast %broadcast_in_dim3A_50 : i32 to vector<4x1024xi32>
    %slice3A_52 = vector.extract_strided_slice %add3A_49 {offsets = [0, 0], sizes = [4, 7168], strides = [1, 1]} : vector<4x8192xi32> to vector<4x7168xi32>
    %concatenate3A_53 = tpu.concatenate %broadcast_in_dim3A_51, %slice3A_52 in 1 : vector<4x1024xi32>, vector<4x7168xi32> -> vector<4x8192xi32>
    %add3A_54 = arith.addi %add3A_49, %concatenate3A_53 : vector<4x8192xi32>
    %broadcast_in_dim3A_55 = arith.constant 0 : i32
    %broadcast_in_dim3A_56 = vector.broadcast %broadcast_in_dim3A_55 : i32 to vector<4x2048xi32>
    %slice3A_57 = vector.extract_strided_slice %add3A_54 {offsets = [0, 0], sizes = [4, 6144], strides = [1, 1]} : vector<4x8192xi32> to vector<4x6144xi32>
    %concatenate3A_58 = tpu.concatenate %broadcast_in_dim3A_56, %slice3A_57 in 1 : vector<4x2048xi32>, vector<4x6144xi32> -> vector<4x8192xi32>
    %add3A_59 = arith.addi %add3A_54, %concatenate3A_58 : vector<4x8192xi32>
    %broadcast_in_dim3A_60 = arith.constant 0 : i32
    %broadcast_in_dim3A_61 = vector.broadcast %broadcast_in_dim3A_60 : i32 to vector<4x4096xi32>
    %slice3A_62 = vector.extract_strided_slice %add3A_59 {offsets = [0, 0], sizes = [4, 4096], strides = [1, 1]} : vector<4x8192xi32> to vector<4x4096xi32>
    %concatenate3A_63 = tpu.concatenate %broadcast_in_dim3A_61, %slice3A_62 in 1 : vector<4x4096xi32>, vector<4x4096xi32> -> vector<4x8192xi32>
    %add3A_64 = arith.addi %add3A_59, %concatenate3A_63 : vector<4x8192xi32>
    %mul3A = arith.muli %add3A_64, %convert_element_type3A : vector<4x8192xi32>
    %add3A_65 = arith.constant 1 : i32
    %add3A_66 = vector.broadcast %add3A_65 : i32 to vector<4x8192xi32>
    %add3A_67 = arith.addi %mul3A, %add3A_66 : vector<4x8192xi32>
    %swap3A = arith.constant 0 : index
    %swap3A_68 = arith.constant 0 : index
    %swap3A_69 = vector.load %arg1[%swap3A, %swap3A_68] : memref<4x8192xi32, #tpu.memory_space<vmem>>, vector<4x8192xi32>
    tpu.vector_store %arg1[%swap3A, %swap3A_68], %add3A_67 {strides = array<i32>} : memref<4x8192xi32, #tpu.memory_space<vmem>>, vector<4x8192xi32>,
    return
  }
}

</mosaic_0001>

<sc_bundles>
// kernel: kernel.4.cloned.1.call-start
scs
__scs_entry_jumppad:
0x0: {  	(pc) =	sbr.rel $0x88, $3  }
0x1: {  	(tag) =	ssettag $0x0;
	lr =	simm.s32 $0x1  }
0x2: {  	[smem:$0x3F9F] =	sst lr;
	_ =	strace $0xD0000000  }
0x3: {  	_ = 	snop  }
0x4: {  	_ = 	snop  }
0x5: {  	_ = 	snop  }
0x6: {  	_ = 	snop  }
0x7: {  	_ = 	snop  }
__scs_overlays_trampoline_lowered:
0x8: {  	[smem:$0x3FAE] =	sst s0  }
0x9: {  	[smem:$0x3FAF] =	sst s1  }
0xa: {  	[smem:$0x3FB0] =	sst s2  }
0xb: {  	[smem:$0x3FB1] =	sst s3  }
0xc: {  	[smem:$0x3FB2] =	sst s4  }
0xd: {  	[smem:$0x3FB3] =	sst s5  }
0xe: {  	[smem:$0x3FB4] =	sst s6  }
0xf: {  	[smem:$0x3FB5] =	sst s7  }
0x10: {  	[smem:$0x3FB6] =	sst s8  }
0x11: {  	[smem:$0x3FB7] =	sst s9;
	s0 =	simm.s32 @!p0 $0x0  }
0x12: {  	s1 =	sld [smem:$0x3F9D];
	s0 =	simm.s32 @p0 $0x1  }
0x13: {  	[smem:$0x3FB8] =	sst s0;
	s0 =	simm.s32 @!p1 $0x0  }
0x14: {  	s2 =	sld [smem:$0x3F9C];
	s0 =	simm.s32 @p1 $0x1  }
0x15: {  	[smem:$0x3FB9] =	sst s0;
	s0 =	simm.s32 @!p2 $0x0  }
0x16: {  	s3 =	sld [smem:$0x3FDB];
	s0 =	simm.s32 @p2 $0x1  }
0x17: {  	s4 =	simm.s32 $0x1BF5;
	[smem:$0x3FBB] =	sst s0  }
0x18: {  	s0 =	sld [smem:$0x3F9E];
	_ =	swait.ge [sflag:s4], $0x0  }
0x19: {  	s7 =	sld [smem:$0x3F9F]  }
0x1a: {  	s8 =	sadd.s32 $0xFFFFE003, lr  }
0x1b: {  	s9 =	sadd.s32 $0xFFFFFEF7, lr;
	s5 =	simm.s32 $0xFFFFFFFF;
	p2 =	slt.u32 s8, $0xFFFFF086  }
0x1c: {  	p1 =	slt.u32 s9, $0xF7A;
	s5 =	simm.s32 @!p2 $0x0  }
0x1d: {  	s5 =	simm.s32 @p1 $0x1;
	p0 =	seq.s32 s7, s2  }
0x1e: {  	s7 =	smul.u32 @!p0 $0xF7A, s2;
	p2 =	seq.s32 @!p0 s5, $0x0  }
0x1f: {  	s9 =	smul.u32 $0xF7A, s1;
	s8 =	simm.s32 @!p0 $0x1BF5;
	p2 =	por !p2, p0  }
0x20: {  	[sflag:s8] =	ssyncset.s32 @!p0 $0xFFFFF086;
	s6 =	sadd.s32 @!p0 s3, s7;
	s7 =	simm.s32 @!p0 $0x108  }
0x21: {  	s3 =	sadd.s32 s3, s9;
	s6 =	sadd.s32 @!p0 $0x88, s6;
	s7 =	simm.s32 @p2 $0x1082  }
0x22: {  	[simem:s7], [sflag:s8] =	dma.local @!p0 [hbm:s6], $0xF7A  }
0x23: {  	s9 =	sor.u32 $0xD0000000, s2;
	s6 =	simm.s32 $0x108;
	_ =	swait.ge @!p0 [sflag:s8], $0x0  }
0x24: {  	s3 =	sadd.s32 $0x88, s3;
	s6 =	simm.s32 @!p1 $0x1082;
	[sflag:s4] =	ssyncset.s32 $0xFFFFF086  }
0x25: {  	[simem:s6], [sflag:s4] =	dma.local [hbm:s3], $0xF7A  }
0x26: {  	[smem:$0x3F9F] =	sst s1;
	(tag) =	ssettag s2;
	_ =	strace s9  }
0x27: {  	s1 =	sld [smem:$0x3FAF]  }
0x28: {  	s2 =	sld [smem:$0x3FB0]  }
0x29: {  	s4 =	sld [smem:$0x3FB2]  }
0x2a: {  	p0 =	seq.s32 s5, $0x0;
	s5 =	sld [smem:$0x3FB3]  }
0x2b: {  	s6 =	sld [smem:$0x3FB4]  }
0x2c: {  	s7 =	sld [smem:$0x3FB5]  }
0x2d: {  	s3 =	simm.s32 $0x108;
	s8 =	sld [smem:$0x3FB6]  }
0x2e: {  	s3 =	simm.s32 @!p0 $0x1082;
	s9 =	sld [smem:$0x3FB7]  }
0x2f: {  	lr =	sadd.s32 s0, s3;
	s0 =	sld [smem:$0x3FAE]  }
0x30: {  	s3 =	sld [smem:$0x3FB1]  }
0x31: {  	[smem:$0x3FBA] =	sst s10  }
0x32: {  	s10 =	sld [smem:$0x3FB8];
	_ =	sdelay $0x3  }
0x33: {  	p0 =	seq.s32 s10, $0x1;
	s10 =	sld [smem:$0x3FBA];
	_ =	sdelay $0x3  }
0x34: {  	[smem:$0x3FBA] =	sst s10  }
0x35: {  	s10 =	sld [smem:$0x3FB9];
	_ =	sdelay $0x3  }
0x36: {  	p1 =	seq.s32 s10, $0x1;
	s10 =	sld [smem:$0x3FBA];
	_ =	sdelay $0x3  }
0x37: {  	[smem:$0x3FBA] =	sst s10  }
0x38: {  	s10 =	sld [smem:$0x3FBB]  }
0x39: {  	_ = 	snop;
	(pc) =	sbr.ind lr, $3  }
0x3a: {  	_ = 	snop  }
0x3b: {  	_ = 	snop  }
0x3c: {  	p2 =	seq.s32 s10, $0x1;
	s10 =	sld [smem:$0x3FBA]  }
0x3d: {  	_ =	shalt  }
0x3e: {  	_ =	shalt  }
0x3f: {  	_ =	shalt  }
0x40: {  	_ =	shalt  }
0x41: {  	_ =	shalt  }
0x42: {  	_ =	shalt  }
0x43: {  	_ =	shalt  }
0x44: {  	_ =	shalt  }
0x45: {  	_ =	shalt  }
0x46: {  	_ =	shalt  }
0x47: {  	_ =	shalt  }
0x48: {  	_ =	shalt  }
0x49: {  	_ =	shalt  }
0x4a: {  	_ =	shalt  }
0x4b: {  	_ =	shalt  }
0x4c: {  	_ =	shalt  }
0x4d: {  	_ =	shalt  }
0x4e: {  	_ =	shalt  }
0x4f: {  	_ =	shalt  }
0x50: {  	_ =	shalt  }
0x51: {  	_ =	shalt  }
0x52: {  	_ =	shalt  }
0x53: {  	_ =	shalt  }
0x54: {  	_ =	shalt  }
0x55: {  	_ =	shalt  }
0x56: {  	_ =	shalt  }
0x57: {  	_ =	shalt  }
0x58: {  	_ =	shalt  }
0x59: {  	_ =	shalt  }
0x5a: {  	_ =	shalt  }
0x5b: {  	_ =	shalt  }
0x5c: {  	_ =	shalt  }
0x5d: {  	_ =	shalt  }
0x5e: {  	_ =	shalt  }
0x5f: {  	_ =	shalt  }
0x60: {  	_ =	shalt  }
0x61: {  	_ =	shalt  }
0x62: {  	_ =	shalt  }
0x63: {  	_ =	shalt  }
0x64: {  	_ =	shalt  }
0x65: {  	_ =	shalt  }
0x66: {  	_ =	shalt  }
0x67: {  	_ =	shalt  }
0x68: {  	_ =	shalt  }
0x69: {  	_ =	shalt  }
0x6a: {  	_ =	shalt  }
0x6b: {  	_ =	shalt  }
0x6c: {  	_ =	shalt  }
0x6d: {  	_ =	shalt  }
0x6e: {  	_ =	shalt  }
0x6f: {  	_ =	shalt  }
0x70: {  	_ =	shalt  }
0x71: {  	_ =	shalt  }
0x72: {  	_ =	shalt  }
0x73: {  	_ =	shalt  }
0x74: {  	_ =	shalt  }
0x75: {  	_ =	shalt  }
0x76: {  	_ =	shalt  }
0x77: {  	_ =	shalt  }
0x78: {  	_ =	shalt  }
0x79: {  	_ =	shalt  }
0x7a: {  	_ =	shalt  }
0x7b: {  	_ =	shalt  }
0x7c: {  	_ =	shalt  }
0x7d: {  	_ =	shalt  }
0x7e: {  	_ =	shalt  }
0x7f: {  	_ =	shalt  }
0x80: {  	_ =	shalt  }
0x81: {  	_ =	shalt  }
0x82: {  	_ =	shalt  }
0x83: {  	_ =	shalt  }
0x84: {  	_ =	shalt  }
0x85: {  	_ =	shalt  }
0x86: {  	_ =	shalt  }
0x87: {  	_ =	shalt  }
.Lfunc_end0:
.L_simem_size_0:
called_computation_lowered:
.L_overlay_start_0:
0x88: {  	s2 =	sld [smem:$0x3FD9]  }
0x89: {  	s3 =	sld [smem:$0x3FFE];
	_ =	sdelay $0x1  }
0x8a: {  	s1 =	srdreg.scid  }
0x8b: {  	s0 =	sand.u32 $0x1, s1  }
0x8c: {  	s17 =	sshll.u32 s0, $0xA;
	s2 =	sadd.s32 s3, s2  }
0x8d: {  	s2 =	sadd.s32 s2, s17  }
0x8e: {  	[smem:$0x3FC6] =	sst s2  }
0x8f: {  	_ = 	snop  }
0x90: {  	s2 =	sld [smem:$0x3FC8]  }
0x91: {  	s18 =	sld [smem:$0x3FD0];
	(tm) =	ssettm $0x1  }
0x92: {  	s4 =	sld [smem:$0x3FFB];
	_ =	sdelay $0x3  }
0x93: {  	_ =	strace s4  }
0x94: {  	s4 =	sld [smem:$0x3FFC];
	_ =	sdelay $0x3  }
0x95: {  	_ =	strace s4  }
0x96: {  	s4 =	sld [smem:$0x3FFD];
	_ =	sdelay $0x3  }
0x97: {  	_ =	strace s4  }
0x98: {  	_ =	strace $0x8FFFFFFF  }
0x99: {  	s19 =	sld [smem:$0x3FDB];
	_ =	sdelay $0x1  }
0x9a: {  	s5 =	simm.s32 $_scs_section_size  }
0x9b: {  	s6 =	simm.s32 $_size__tile_overlayer_lowered;
	s7 =	simm.s32 $_tile_overlayer_lowered  }
0x9c: {  	s22 =	simm.s32 $0x1BFF;
	s21 =	sshll.u32 s7, $0x1;
	s4 =	sadd.s32 s5, s19  }
0x9d: {  	s8 =	simm.s32 $0x0;
	s20 =	sshll.u32 s6, $0x1;
	s6 =	sadd.s32 s21, s4  }
0x9e: {  	[timem:s8], [sflag:s22] =	dma.local [hbm:s6], s20  }
0x9f: {  	_ =	swait.ge [sflag:s22], s20  }
0xa0: {  	s5 =	ssub.s32 $0x0, s20;
	[sflag:s22] =	ssyncset.done $0x0  }
0xa1: {  	[sflag:s22] =	ssyncadd.s32 s5;
	_ =	sdelay $0x1  }
0xa2: {  	s23 =	simm.s32 $0x1B8B  }
0xa3: {  	_ =	swait.ge [sflag:s23], $0x1  }
0xa4: {  	[sflag:s23] =	ssyncset.done $0x0  }
0xa5: {  	s25 =	simm.s32 $0x1B8E;
	s24 =	sld [smem:$0x3FFE];
	[sflag:s23] =	ssyncadd.s32 $0xFFFFFFFF  }
0xa6: {  	s26 =	simm.s32 $execute0_lowered;
	[smem:$0x3FD2] =	sst s25  }
0xa7: {  	s6 =	sshll.u32 s26, $0x1;
	_ =	strace $0x80000046;
	[dreg:$0x1] =	wrdreg $0xFFFFFFFF  }
0xa8: {  	s28 =	simm.s32 $_size_execute0_lowered;
	s4 =	sadd.s32 s4, s6;
	[dreg:$0x0] =	wrdreg $0x0  }
0xa9: {  	s6 =	sshll.u32 s28, $0x1;
	[dreg:$0x2] =	wrdreg s4  }
0xaa: {  	[dreg:$0x3] =	wrdreg s6  }
0xab: {  	[dreg:$0x4] =	wrdreg $0xC0  }
0xac: {  	_ =	task [dreg:s8], $0x5FFFF  }
0xad: {  	[dreg:$0x1] =	wrdreg $0xFFFFFFFF  }
0xae: {  	[dreg:$0x0] =	wrdreg $0x60  }
0xaf: {  	[dreg:$0x2] =	wrdreg s2  }
0xb0: {  	[dreg:$0x3] =	wrdreg s24  }
0xb1: {  	[dreg:$0x4] =	wrdreg s18  }
0xb2: {  	[dreg:$0x5] =	wrdreg $0x9  }
0xb3: {  	_ =	task.clear_ibuf [dreg:s8], $0x6FFFF;
	_ =	strace $0x90000046  }
0xb4: {  	s29 =	simm.s32 $0x9;
	_ =	strace $0x80000048  }
0xb5: {  	_ =	swait.ge [sflag:s29], $0x1  }
0xb6: {  	[sflag:s29] =	ssyncadd.s32 $0xFFFFFFFF  }
0xb7: {  	_ =	strace $0x90000048  }
0xb8: {  	_ =	sfence  }
0xb9: {  	s30 =	sld [smem:$0x0];
	_ =	sdelay $0x2  }
0xba: {  	s31 =	sshll.u32 s1, $0xD;
	s1 =	sshrl.u32 s1, $0x2  }
0xbb: {  	s3 =	sand.u32 $0x4000, s31;
	s1 =	sadd.s32 s1, s30  }
0xbc: {  	s0 =	sor.u32 s3, s0;
	s1 =	sshll.u32 s1, $0x11  }
0xbd: {  	s0 =	sor.u32 s1, s0  }
0xbe: {  	s0 =	sadd.s32 $0x8F2B, s0  }
0xbf: {  	[sflag:s0] =	ssyncadd.remote.s32 $0x1  }
0xc0: {  	_ =	sfence.sel $0xFFFF  }
0xc1: {  	[dreg:$0x0] =	wrdreg $0xFFFFFFFF;
	(pc) =	sbr.abs _section_cstart, $3  }
0xc2: {  	[dreg:$0x1] =	wrdreg $0xFFFFFFFF  }
0xc3: {  	_ =	task.clear_ibuf [dreg:s8], $0x2FFFF;
	_ =	strace $0x9FFFFFFF  }
0xc4: {  	(tm) =	ssettm $0x7FFFFFFF  }
0xc5: {  	_ =	shalt  }
tec
execute0_lowered:
.L_overlay_start_1:
0x0: {  	(tag) =	ssettag $0x1  }
0x1: {  	s1 =	rddreg [dreg:$0x0]  }
0x2: {  	s0 =	rddreg [dreg:$0x1]  }
0x3: {  	s2 =	rddreg [dreg:$0x2];
	s4 =	srdreg.scid  }
0x4: {  	s6 =	stileid.u32;
	s3 =	simm.s32 $0x0;
	s12 =	simm.s32 $0x1000  }
0x5: {  	s13 =	simm.s32 $0x1800;
	s14 =	simm.s32 $0x2000;
	[smem:$0x7FF] =	sst s3  }
0x6: {  	s15 =	simm.s32 $0x2800;
	_ =	strace $0x80000047;
	[dreg:$0x5] =	wrdreg s12  }
0x7: {  	s17 =	simm.s32 $0x3000;
	s18 =	simm.s32 $0x3800;
	[dreg:$0x6] =	wrdreg s13  }
0x8: {  	s19 =	simm.s32 $0x4000;
	s20 =	simm.s32 $0x4800;
	[dreg:$0x7] =	wrdreg s14  }
0x9: {  	s21 =	simm.s32 $0x5000;
	s22 =	simm.s32 $0x5800;
	[dreg:$0x8] =	wrdreg s15  }
0xa: {  	s24 =	simm.s32 $0x6000;
	s9 =	simm.s32 $0x2;
	[dreg:$0x9] =	wrdreg s17  }
0xb: {  	s25 =	simm.s32 $0x6800;
	s26 =	simm.s32 $0x7000;
	[dreg:$0xa] =	wrdreg s18  }
0xc: {  	s28 =	simm.s32 $0xF800;
	s29 =	simm.s32 $0x10000;
	[dreg:$0xb] =	wrdreg s19  }
0xd: {  	s30 =	simm.s32 $0x1;
	s31 =	simm.s32 $0x0;
	[dreg:$0xc] =	wrdreg s20  }
0xe: {  	s4 =	sand.u32 $0x1, s4;
	s5 =	sshll.u32 s6, $0x12;
	[dreg:$0xd] =	wrdreg s21  }
0xf: {  	s6 =	sshll.u32 s6, $0x9;
	s7 =	sadd.s32 $0x300, s1;
	[dreg:$0xe] =	wrdreg s22  }
0x10: {  	s2 =	sadd.s32 s5, s2;
	s10 =	sshll.u32 s4, $0x11;
	[dreg:$0xf] =	wrdreg s24  }
0x11: {  	s11 =	sshll.u32 s4, $0x8;
	s4 =	ssub.s32 $0x2, s4;
	[dreg:$0x10] =	wrdreg s25  }
0x12: {  	[dreg:$0x11] =	wrdreg s26;
	s12 =	simm.s32 $0x8000;
	s13 =	simm.s32 $0x8800  }
0x13: {  	s14 =	simm.s32 $0x9000;
	s15 =	simm.s32 $0x9800;
	s17 =	simm.s32 $0xA800  }
0x14: {  	s18 =	simm.s32 $0xB000;
	s19 =	simm.s32 $0xB800;
	s20 =	simm.s32 $0xC000  }
0x15: {  	s21 =	simm.s32 $0xC800;
	s22 =	simm.s32 $0xD000;
	s24 =	simm.s32 $0xE000  }
0x16: {  	s25 =	simm.s32 $0xE800;
	s26 =	simm.s32 $0xF000;
	s2 =	sadd.s32 s10, s2  }
0x17: {  	s5 =	sor.u32 s11, s6;
	s16 =	sshrl.u32 s4, $0x1;
	s6 =	sadd.s32 $0x200, s1  }
0x18: {  	s10 =	simm.s32 $0x800;
	s11 =	simm.s32 $0x7800;
	s0 =	sadd.s32 s5, s0  }
0x19: {  	v2 =	vlaneseq.u32;
	[dreg:$0x4] =	wrdreg s2;
	s8 =	ssub.s32 s4, s16;
	s0 =	sadd.s32 $0x600, s0  }
0x1a: {  	vm0 =	vmmov $0xffff;
	v1 =	vshrl.u32 v2, $0x3;
	s5 =	sadd.s32 $0x100, s1;
	s23 =	smax.u32 s8, $0x1;
	[dreg:$0x12] =	wrdreg s0  }
0x1b: {  	v0 =	vand.u32 $0x7, v2;
	v2 =	vor.u32 $0x8, v2;
	v1 =	vmul.u32 $0x8, v1;
	s16 =	simm.s32 $0xA000;
	[dreg:$0x13] =	wrdreg s23;
	s23 =	simm.s32 $0xD800  }
.LBB2_1:
0x1c: {  	s0 =	rddreg [dreg:$0x12]  }
0x1d: {  	[tilespmem:s3], [sflag:$0x2] =	stream.linear.gather [hbm4b:s0+s3], $0x800, $0x38;
	[tilespmem:$0x10800] =	vst v63  }
0x1e: {  	_ =	swait.ge [sflag:s9], $0x800  }
0x1f: {  	[sflag:s9] =	ssyncset.done $0x0  }
0x20: {  	s2 =	simm.s32 $0x0;
	s0 =	simm.s32 $0x20;
	[sflag:s9] =	ssyncadd.s32 $0xFFFFF800  }
.LBB2_2:
0x21: {  	v3 =	vld [tilespmem:s0+$0xFFFFFFE0];
	_ =	sdelay $0x4  }
0x22: {  	v4 =	vshll.u32 v3, $0x3  }
0x23: {  	v3 =	vand.u32 $0x7, v3;
	v4 =	vand.u32 $0xFFFFFFC0, v4  }
0x24: {  	v3 =	vor.u32 v3, v4  }
0x25: {  	v4 =	vperm.xlane v3, v0;
	_ =	sdelay $0x1  }
0x26: {  	v4 =	vadd.s32 v1, v4;
	_ =	sdelay $0x4  }
0x27: {  	[tilespmem:s10], [sflag:$0x1] =	stream.indirect_vreg.gather [hbm4b:s1+s3], $0x80, v4, vm0, $0xb8;
	[tilespmem:$0x10800] =	vst v63  }
0x28: {  	s4 =	rddreg [dreg:$0x5];
	v3 =	vperm.xlane v3, v2  }
0x29: {  	[tilespmem:s4], [sflag:$0x1] =	stream.indirect_vreg.gather [hbm4b:s5+s3], $0x80, v4, vm0, $0xb8;
	[tilespmem:$0x10800] =	vst v63  }
0x2a: {  	s8 =	rddreg [dreg:$0x6];
	v3 =	vadd.s32 v1, v3  }
0x2b: {  	[tilespmem:s8], [sflag:$0x1] =	stream.indirect_vreg.gather [hbm4b:s6+s3], $0x80, v4, vm0, $0xb8;
	[tilespmem:$0x10800] =	vst v63  }
0x2c: {  	s4 =	rddreg [dreg:$0x7]  }
0x2d: {  	[tilespmem:s4], [sflag:$0x1] =	stream.indirect_vreg.gather [hbm4b:s7+s3], $0x80, v4, vm0, $0xb8;
	[tilespmem:$0x10800] =	vst v63  }
0x2e: {  	s8 =	rddreg [dreg:$0x8]  }
0x2f: {  	[tilespmem:s8], [sflag:$0x1] =	stream.indirect_vreg.gather [hbm4b:s1+s3], $0x80, v3, vm0, $0xb8;
	[tilespmem:$0x10800] =	vst v63  }
0x30: {  	s4 =	rddreg [dreg:$0x9]  }
0x31: {  	[tilespmem:s4], [sflag:$0x1] =	stream.indirect_vreg.gather [hbm4b:s5+s3], $0x80, v3, vm0, $0xb8;
	[tilespmem:$0x10800] =	vst v63  }
0x32: {  	s8 =	rddreg [dreg:$0xa]  }
0x33: {  	[tilespmem:s8], [sflag:$0x1] =	stream.indirect_vreg.gather [hbm4b:s6+s3], $0x80, v3, vm0, $0xb8;
	[tilespmem:$0x10800] =	vst v63  }
0x34: {  	s4 =	rddreg [dreg:$0xb]  }
0x35: {  	[tilespmem:s4], [sflag:$0x1] =	stream.indirect_vreg.gather [hbm4b:s7+s3], $0x80, v3, vm0, $0xb8;
	[tilespmem:$0x10800] =	vst v63  }
0x36: {  	v3 =	vld [tilespmem:s0+$0xFFFFFFF0];
	_ =	sdelay $0x4  }
0x37: {  	v61 =	vshll.u32 v3, $0x3  }
0x38: {  	v3 =	vand.u32 $0x7, v3;
	v4 =	vand.u32 $0xFFFFFFC0, v61  }
0x39: {  	v3 =	vor.u32 v3, v4  }
0x3a: {  	v4 =	vperm.xlane v3, v0;
	_ =	sdelay $0x1  }
0x3b: {  	v4 =	vadd.s32 v1, v4;
	_ =	sdelay $0x3  }
0x3c: {  	s4 =	rddreg [dreg:$0xc]  }
0x3d: {  	[tilespmem:s4], [sflag:$0x1] =	stream.indirect_vreg.gather [hbm4b:s1+s3], $0x80, v4, vm0, $0xb8;
	[tilespmem:$0x10800] =	vst v63  }
0x3e: {  	s8 =	rddreg [dreg:$0xd];
	v3 =	vperm.xlane v3, v2  }
0x3f: {  	[tilespmem:s8], [sflag:$0x1] =	stream.indirect_vreg.gather [hbm4b:s5+s3], $0x80, v4, vm0, $0xb8;
	[tilespmem:$0x10800] =	vst v63  }
0x40: {  	v3 =	vadd.s32 v1, v3;
	s4 =	rddreg [dreg:$0xe]  }
0x41: {  	[tilespmem:s4], [sflag:$0x1] =	stream.indirect_vreg.gather [hbm4b:s6+s3], $0x80, v4, vm0, $0xb8;
	[tilespmem:$0x10800] =	vst v63  }
0x42: {  	s8 =	rddreg [dreg:$0xf]  }
0x43: {  	[tilespmem:s8], [sflag:$0x1] =	stream.indirect_vreg.gather [hbm4b:s7+s3], $0x80, v4, vm0, $0xb8;
	[tilespmem:$0x10800] =	vst v63  }
0x44: {  	s4 =	rddreg [dreg:$0x10]  }
0x45: {  	[tilespmem:s4], [sflag:$0x1] =	stream.indirect_vreg.gather [hbm4b:s1+s3], $0x80, v3, vm0, $0xb8;
	[tilespmem:$0x10800] =	vst v63  }
0x46: {  	s8 =	rddreg [dreg:$0x11]  }
0x47: {  	[tilespmem:s8], [sflag:$0x1] =	stream.indirect_vreg.gather [hbm4b:s5+s3], $0x80, v3, vm0, $0xb8;
	[tilespmem:$0x10800] =	vst v63  }
0x48: {  	_ = 	snop  }
0x49: {  	[tilespmem:s11], [sflag:$0x1] =	stream.indirect_vreg.gather [hbm4b:s6+s3], $0x80, v3, vm0, $0xb8;
	[tilespmem:$0x10800] =	vst v63  }
0x4a: {  	_ = 	snop  }
0x4b: {  	[tilespmem:s12], [sflag:$0x1] =	stream.indirect_vreg.gather [hbm4b:s7+s3], $0x80, v3, vm0, $0xb8;
	[tilespmem:$0x10800] =	vst v63  }
0x4c: {  	v3 =	vld [tilespmem:s0+$0x0];
	_ =	sdelay $0x4  }
0x4d: {  	v62 =	vshll.u32 v3, $0x3  }
0x4e: {  	v3 =	vand.u32 $0x7, v3;
	v4 =	vand.u32 $0xFFFFFFC0, v62  }
0x4f: {  	v3 =	vor.u32 v3, v4  }
0x50: {  	v4 =	vperm.xlane v3, v0;
	_ =	sdelay $0x1  }
0x51: {  	v4 =	vadd.s32 v1, v4;
	_ =	sdelay $0x4  }
0x52: {  	[tilespmem:s13], [sflag:$0x1] =	stream.indirect_vreg.gather [hbm4b:s1+s3], $0x80, v4, vm0, $0xb8;
	[tilespmem:$0x10800] =	vst v63  }
0x53: {  	v3 =	vperm.xlane v3, v2  }
0x54: {  	[tilespmem:s14], [sflag:$0x1] =	stream.indirect_vreg.gather [hbm4b:s5+s3], $0x80, v4, vm0, $0xb8;
	[tilespmem:$0x10800] =	vst v63  }
0x55: {  	v3 =	vadd.s32 v1, v3  }
0x56: {  	[tilespmem:s15], [sflag:$0x1] =	stream.indirect_vreg.gather [hbm4b:s6+s3], $0x80, v4, vm0, $0xb8;
	[tilespmem:$0x10800] =	vst v63  }
0x57: {  	_ = 	snop  }
0x58: {  	[tilespmem:s16], [sflag:$0x1] =	stream.indirect_vreg.gather [hbm4b:s7+s3], $0x80, v4, vm0, $0xb8;
	[tilespmem:$0x10800] =	vst v63  }
0x59: {  	_ = 	snop  }
0x5a: {  	[tilespmem:s17], [sflag:$0x1] =	stream.indirect_vreg.gather [hbm4b:s1+s3], $0x80, v3, vm0, $0xb8;
	[tilespmem:$0x10800] =	vst v63  }
0x5b: {  	_ = 	snop  }
0x5c: {  	[tilespmem:s18], [sflag:$0x1] =	stream.indirect_vreg.gather [hbm4b:s5+s3], $0x80, v3, vm0, $0xb8;
	[tilespmem:$0x10800] =	vst v63  }
0x5d: {  	_ = 	snop  }
0x5e: {  	[tilespmem:s19], [sflag:$0x1] =	stream.indirect_vreg.gather [hbm4b:s6+s3], $0x80, v3, vm0, $0xb8;
	[tilespmem:$0x10800] =	vst v63  }
0x5f: {  	_ = 	snop  }
0x60: {  	[tilespmem:s20], [sflag:$0x1] =	stream.indirect_vreg.gather [hbm4b:s7+s3], $0x80, v3, vm0, $0xb8;
	[tilespmem:$0x10800] =	vst v63  }
0x61: {  	v3 =	vld [tilespmem:s0+$0x10];
	_ =	sdelay $0x4  }
0x62: {  	v63 =	vshll.u32 v3, $0x3  }
0x63: {  	v3 =	vand.u32 $0x7, v3;
	v4 =	vand.u32 $0xFFFFFFC0, v63  }
0x64: {  	v3 =	vor.u32 v3, v4  }
0x65: {  	v4 =	vperm.xlane v3, v0;
	_ =	sdelay $0x1  }
0x66: {  	v4 =	vadd.s32 v1, v4;
	_ =	sdelay $0x4  }
0x67: {  	[tilespmem:s21], [sflag:$0x1] =	stream.indirect_vreg.gather [hbm4b:s1+s3], $0x80, v4, vm0, $0xb8;
	[tilespmem:$0x10800] =	vst v63  }
0x68: {  	v3 =	vperm.xlane v3, v2  }
0x69: {  	[tilespmem:s22], [sflag:$0x1] =	stream.indirect_vreg.gather [hbm4b:s5+s3], $0x80, v4, vm0, $0xb8;
	[tilespmem:$0x10800] =	vst v63  }
0x6a: {  	v3 =	vadd.s32 v1, v3  }
0x6b: {  	[tilespmem:s23], [sflag:$0x1] =	stream.indirect_vreg.gather [hbm4b:s6+s3], $0x80, v4, vm0, $0xb8;
	[tilespmem:$0x10800] =	vst v63  }
0x6c: {  	_ = 	snop  }
0x6d: {  	[tilespmem:s24], [sflag:$0x1] =	stream.indirect_vreg.gather [hbm4b:s7+s3], $0x80, v4, vm0, $0xb8;
	[tilespmem:$0x10800] =	vst v63  }
0x6e: {  	_ = 	snop  }
0x6f: {  	[tilespmem:s25], [sflag:$0x1] =	stream.indirect_vreg.gather [hbm4b:s1+s3], $0x80, v3, vm0, $0xb8;
	[tilespmem:$0x10800] =	vst v63  }
0x70: {  	_ = 	snop  }
0x71: {  	[tilespmem:s26], [sflag:$0x1] =	stream.indirect_vreg.gather [hbm4b:s5+s3], $0x80, v3, vm0, $0xb8;
	[tilespmem:$0x10800] =	vst v63  }
0x72: {  	_ = 	snop  }
0x73: {  	[tilespmem:s28], [sflag:$0x1] =	stream.indirect_vreg.gather [hbm4b:s6+s3], $0x80, v3, vm0, $0xb8;
	[tilespmem:$0x10800] =	vst v63  }
0x74: {  	_ = 	snop  }
0x75: {  	[tilespmem:s29], [sflag:$0x1] =	stream.indirect_vreg.gather [hbm4b:s7+s3], $0x80, v3, vm0, $0xb8;
	[tilespmem:$0x10800] =	vst v63  }
0x76: {  	_ =	swait.ge [sflag:s30], $0x10000  }
0x77: {  	p0 =	sne.s32 s2, $0x1E000;
	s8 =	rddreg [dreg:$0x4];
	[sflag:s30] =	ssyncset.done $0x0  }
.Ltmp0:
0x78: {  	[sflag:s30] =	ssyncadd.s32 $0xFFFF0000;
	s4 =	sadd.s32 s2, s8;
	(pc) =	sbr.rel @p0 .LBB2_2-.Ltmp0, $4  }
0x79: {  	[hbm4b:s4+s3] =	stream.linear.scatter [tilespmem:s10], [sflag:$0x2], $0x10000, $0x38;
	[tilespmem:$0x10800] =	vst v63  }
0x7a: {  	_ =	swait.ge [sflag:s9], $0x10000  }
0x7b: {  	[sflag:s9] =	ssyncset.done $0x0  }
0x7c: {  	s0 =	sadd.s32 $0x80, s0;
	s2 =	sadd.s32 $0x2000, s2;
	[sflag:s9] =	ssyncadd.s32 $0xFFFF0000  }
0x7d: {  	s31 =	sadd.s32 $0x1, s31;
	s0 =	rddreg [dreg:$0x13]  }
0x7e: {  	p0 =	sne.s32 s31, s0  }
.Ltmp1:
0x7f: {  	_ = 	snop;
	(pc) =	sbr.rel @p0 .LBB2_1-.Ltmp1, $1  }
0x80: {  	_ =	sdelay $0x3  }
0x81: {  	_ =	sfence.sel $0x180000  }
0x82: {  	[bflag:$0x0] =	sbarrier.arrive $0xFFFF  }
0x83: {  	_ =	strace $0x90000047  }
0x84: {  	s0 =	stileid.u32;
	[bflag:$0x2] =	sbarrier.arrive $0xFFFF  }
0x85: {  	p0 =	sne.s32 s0, $0x0;
	s0 =	rddreg [dreg:$0x3]  }
0x86: {  	s0 =	sadd.s32 @!p0 $0x100000, s0  }
0x87: {  	[sflag:s0] =	ssyncadd.tile.s32 @!p0 $0x1;
	_ =	shalt  }
.Lfunc_end2:
_tile_overlayer_lowered:
.L_overlay_start_2:
0x88: {  	(tag) =	ssettag $0x2  }
0x89: {  	s0 =	rddreg [dreg:$0x0];
	s2 =	stileid.u32  }
0x8a: {  	s1 =	rddreg [dreg:$0x1];
	p0 =	sne.s32 s2, $0x0  }
0x8b: {  	s3 =	rddreg [dreg:$0x2];
	[bflag:$0x3] =	sbarrier.arrive $0xFFFF;
	s2 =	simm.s32 @!p0 $0x1C02  }
0x8c: {  	[timem:s3], [sflag:s2] =	dma.local @!p0 [hbm:s0], s1  }
0x8d: {  	s0 =	simm.s32 @!p0 $0x2  }
0x8e: {  	_ =	swait.ge @!p0 [sflag:s0], s1  }
0x8f: {  	s1 =	ssub.s32 @!p0 $0x0, s1;
	[sflag:s0] =	ssyncset.done @!p0 $0x0  }
0x90: {  	[sflag:s0] =	ssyncadd.s32 @!p0 s1  }
0x91: {  	[bflag:$0x3] =	sbarrier.arrive $0xFFFF  }
0x92: {  	_ =	shalt  }

</sc_bundles>
